<compile_context>
chip_gen: v7x
topology: tpu7x:2x2x1
jax: 0.10.2.dev20260603
libtpu: 0.0.44.dev20260713+nightly
codegen_flags: <defaults>
</compile_context>

<pallas_src>
import functools

import jax
import jax.numpy as jnp
from jax import lax
from jax.experimental import pallas as pl
from jax.experimental.pallas import tpu as pltpu
from jax.experimental.pallas import tpu_sc as plsc


NB = 2


def _body(z_ref, e_ref, idx_ref):
    for j in range(NB):
        _one(z_ref, e_ref, idx_ref, j)


def _one(z_ref, e_ref, idx_ref, j):
    A = z_ref[j, 0]
    E = e_ref[0]
    K = E.shape[0]
    HW = A.shape[1]
    s = jax.lax.dot_general(E, A, (((1,), (0,)), ((), ())),
                            preferred_element_type=jnp.float32)
    en = jnp.sum(E * E, axis=1, keepdims=True)
    zn = jnp.sum(A * A, axis=0, keepdims=True)
    d2 = (zn + en) - 2.0 * s
    m1 = jnp.min(d2, axis=0, keepdims=True)
    s0 = jnp.sqrt(jnp.maximum(m1, 0.0))
    mbits = jax.lax.bitcast_convert_type(m1, jnp.int32)
    T = m1
    for i in (1, 2, 3):
        ci = jax.lax.bitcast_convert_type(mbits + i, jnp.float32)
        si = jnp.sqrt(jnp.maximum(ci, 0.0))
        T = jnp.where(si == s0, ci, T)
    T = jnp.where(s0 == 0.0, 0.0, T)
    idx = jnp.argmin(jnp.maximum(d2, T), axis=0).astype(jnp.int32)
    idx_ref[0, j] = idx.reshape(idx_ref.shape[2], idx_ref.shape[3])


def _tc_indices(z, e):
    N, ZD, H, W = z.shape
    L, K, C = e.shape
    HW = H * W
    zr = z.reshape(N, L, C, HW)
    return pl.pallas_call(
        _body,
        grid=(L, N // NB),
        in_specs=[
            pl.BlockSpec((NB, 1, C, HW), lambda l, n: (n, l, 0, 0)),
            pl.BlockSpec((1, K, C), lambda l, n: (l, 0, 0)),
        ],
        out_specs=pl.BlockSpec((1, NB, 8, HW // 8), lambda l, n: (l, n, 0, 0)),
        out_shape=jax.ShapeDtypeStruct((L, N, 8, HW // 8), jnp.int32),
        compiler_params=pltpu.CompilerParams(
            dimension_semantics=("parallel", "parallel")),
    )(zr, e)


def _sc_gather(table, flat_idx, D):
    B = flat_idx.shape[0]
    info = plsc.get_sparse_core_info()
    NC, NS = info.num_cores, info.num_subcores
    NW = NC * NS
    b_per_w = B // NW
    CH = 512
    mesh = plsc.VectorSubcoreMesh(core_axis_name="c", subcore_axis_name="s")

    @functools.partial(
        pl.kernel, mesh=mesh,
        out_type=jax.ShapeDtypeStruct((B, D), jnp.float32),
        scratch_types=[
            pltpu.VMEM((CH,), jnp.int32),
            pltpu.VMEM((CH, D), jnp.float32),
            pltpu.SemaphoreType.DMA,
        ],
    )
    def k(table_hbm, idx_hbm, out_hbm, idx_v, rows_v, sem):
        wid = lax.axis_index("s") * NC + lax.axis_index("c")
        base = wid * b_per_w
        for ci in range(b_per_w // CH):
            off = base + ci * CH
            pltpu.sync_copy(idx_hbm.at[pl.ds(off, CH)], idx_v)
            pltpu.async_copy(table_hbm.at[idx_v], rows_v, sem).wait()
            pltpu.sync_copy(rows_v, out_hbm.at[pl.ds(off, CH)])

    return k(table, flat_idx)


def kernel(z, e):
    N, ZD, H, W = z.shape
    L, K, C = e.shape
    HW = H * W
    idx = _tc_indices(z, e)
    flat = (idx + (jnp.arange(L, dtype=jnp.int32) * K).reshape(L, 1, 1, 1))
    e_pad = jnp.pad(e.reshape(L * K, C), ((0, 0), (0, 128 - C)))
    rows = _sc_gather(e_pad, flat.reshape(L * N * HW), 128)
    zq = (rows.reshape(L, N, HW, 128)[..., :C]
          .transpose(1, 0, 3, 2).reshape(N, ZD, H, W))
    z_out = z + (zq - z)
    return z_out, idx.reshape(L, N, H, W)

# --- scband reference (transcript-rebuilt; emitter-appended) ---
"""Pipeline reference for scband-quantizer-40853728919862 (READ-ONLY COPY).

The authoritative reference and input builder live on the scoring server;
editing this copy changes nothing except your own understanding.
"""

import jax, jax.numpy as jnp
import numpy as np

N, Z_DIM, H, W = 8, 256, 32, 32
L, K, C = 4, 1024, 64


def setup_inputs(seed: int = 0) -> dict:
    key = jax.random.key(seed)
    k1, k2 = jax.random.split(key)
    z = jax.random.normal(k1, (N, Z_DIM, H, W), dtype=jnp.float32)
    e = jax.random.normal(k2, (L, K, C), dtype=jnp.float32)
    return {"z": z, "e": e}


def reference(z, e):
    # Faithful translation of Quantizer.forward (torch dict-based API flattened
    # into explicit tensors: data['z'] -> z, data['e'] -> e).
    N_, z_dim, H_, W_ = z.shape
    L_, K_, c = e.shape
    # z: [N, z_dim, H, W] -> [N, L, c, H, W] -> [L, N, H, W, c] -> [L, N*H*W, c]
    zr = z.reshape(N_, L_, c, H_, W_).transpose(1, 0, 3, 4, 2).reshape(L_, -1, c)
    # torch.cdist(z, e) with p=2 via the norm expansion (avoids L*M*K*c blowup)
    d2 = (jnp.sum(zr * zr, axis=-1)[:, :, None]
          + jnp.sum(e * e, axis=-1)[:, None, :]
          - 2.0 * jnp.einsum('lmc,lkc->lmk', zr, e))
    distances = jnp.sqrt(jnp.maximum(d2, 0.0))
    min_indices = jnp.argmin(distances, axis=2)  # [L, M]
    # per-latent index_select: e[l][min_indices[l]] -> [L, M, c]
    z_q = jax.vmap(lambda el, il: jnp.take(el, il, axis=0))(e, min_indices)
    # [L, M, c] -> [L, c, M] -> [z_dim, N, H, W] -> [N, z_dim, H, W]
    z_q = jnp.swapaxes(z_q, 1, 2).reshape(z_dim, N_, H_, W_)
    z_q = jnp.swapaxes(z_q, 0, 1)
    # straight-through estimator: data['z'] + (z_q - data['z']).detach()
    z_out = z + jax.lax.stop_gradient(z_q - z)
    min_indices_out = min_indices.reshape(L_, N_, H_, W_)
    return z_out, min_indices_out

if __name__ == "__main__":
    import jax
    _d = setup_inputs()
    print(jax.jit(kernel)(*tuple(_d.values())))

</pallas_src>

<mosaic_0001>
#map = affine_map<(d0, d1) -> (0, 0)>
#map1 = affine_map<(d0, d1) -> (0)>
module attributes {stable_mosaic.version = 14 : i64} {
  func.func @k(%arg0: i32, %arg1: i32, %arg2: memref<4096x128xf32, #tpu.memory_space<hbm>>, %arg3: memref<32768xi32, #tpu.memory_space<hbm>>, %arg4: memref<32768x128xf32, #tpu.memory_space<hbm>>, %arg5: memref<512xi32, #tpu.memory_space<vmem>>, %arg6: memref<512x128xf32, #tpu.memory_space<vmem>>, %arg7: memref<!tpu.dma_semaphore, #tpu.memory_space<semaphore_mem>>) attributes {dimension_semantics = [#tpu.dimension_semantics<core_parallel>, #tpu.dimension_semantics<subcore_parallel>], iteration_bounds = array<i64: 2, 16>, scalar_prefetch = 0 : i64, scratch_operands = 3 : i64, tpu.core_type = #tpu.core_type<sc_vector_subcore>, window_params = [{transform_indices = #map}, {transform_indices = #map1}, {transform_indices = #map}]} {
    %mul3A = arith.constant 2 : i32
    %mul3A_0 = arith.muli %arg1, %mul3A : i32
    %add3A = arith.addi %mul3A_0, %arg0 : i32
    %mul3A_1 = arith.constant 1024 : i32
    %mul3A_2 = arith.muli %add3A, %mul3A_1 : i32
    %add3A_3 = arith.constant 0 : i32
    %add3A_4 = arith.addi %mul3A_2, %add3A_3 : i32
    "tpu.region"() ({
      %run_scoped3A = tpu.sem_alloc : memref<!tpu.dma_semaphore, #tpu.memory_space<semaphore_mem>>
      %dma_start3A_17 = tpu.memref_slice %arg3[%add3A_4] : memref<32768xi32, #tpu.memory_space<hbm>> -> memref<512xi32, #tpu.memory_space<hbm>>
      %dma_start3A_18 = tpu.memref_slice %arg3[%add3A_4] : memref<32768xi32, #tpu.memory_space<hbm>> -> memref<512xi32, #tpu.memory_space<hbm>>
      tpu.enqueue_dma source(%dma_start3A_18 : memref<512xi32, #tpu.memory_space<hbm>>) target(%arg5 : memref<512xi32, #tpu.memory_space<vmem>>) target_semaphore(%run_scoped3A : memref<!tpu.dma_semaphore, #tpu.memory_space<semaphore_mem>>)
      %dma_wait3A_19 = tpu.memref_slice %arg3[%add3A_4] : memref<32768xi32, #tpu.memory_space<hbm>> -> memref<512xi32, #tpu.memory_space<hbm>>
      %dma_wait3A_20 = tpu.memref_slice %arg3[%add3A_4] : memref<32768xi32, #tpu.memory_space<hbm>> -> memref<512xi32, #tpu.memory_space<hbm>>
      tpu.wait_dma2 semaphore(%run_scoped3A : memref<!tpu.dma_semaphore, #tpu.memory_space<semaphore_mem>>) src(%dma_wait3A_20 : memref<512xi32, #tpu.memory_space<hbm>>) dst(%arg5 : memref<512xi32, #tpu.memory_space<vmem>>)
      tpu.yield
    }) : () -> ()
    %dma_start3A = arith.constant 0 : i32
    %dma_start3A_5 = arith.constant 0 : i32
    %dma_start3A_6 = tpu.memref_slice %arg2[%dma_start3A, %dma_start3A_5] : memref<4096x128xf32, #tpu.memory_space<hbm>> -> memref<4096x128xf32, #tpu.memory_space<hbm>>
    tpu.enqueue_indirect_dma source(%dma_start3A_6 : memref<4096x128xf32, #tpu.memory_space<hbm>>) target(%arg6 : memref<512x128xf32, #tpu.memory_space<vmem>>) offsets(%arg5 : memref<512xi32, #tpu.memory_space<vmem>>) semaphore(%arg7 : memref<!tpu.dma_semaphore, #tpu.memory_space<semaphore_mem>>)
    %dma_wait3A = arith.constant 0 : i32
    %dma_wait3A_7 = arith.constant 0 : i32
    %dma_wait3A_8 = tpu.memref_slice %arg2[%dma_wait3A, %dma_wait3A_7] : memref<4096x128xf32, #tpu.memory_space<hbm>> -> memref<4096x128xf32, #tpu.memory_space<hbm>>
    tpu.wait_indirect_dma semaphore(%arg7 : memref<!tpu.dma_semaphore, #tpu.memory_space<semaphore_mem>>) src(%dma_wait3A_8 : memref<4096x128xf32, #tpu.memory_space<hbm>>) dst(%arg6 : memref<512x128xf32, #tpu.memory_space<vmem>>)
    "tpu.region"() ({
      %run_scoped3A = tpu.sem_alloc : memref<!tpu.dma_semaphore, #tpu.memory_space<semaphore_mem>>
      %dma_start3A_17 = arith.constant 0 : i32
      %dma_start3A_18 = tpu.memref_slice %arg4[%add3A_4, %dma_start3A_17] : memref<32768x128xf32, #tpu.memory_space<hbm>> -> memref<512x128xf32, #tpu.memory_space<hbm>>
      %dma_start3A_19 = arith.constant 0 : i32
      %dma_start3A_20 = tpu.memref_slice %arg4[%add3A_4, %dma_start3A_19] : memref<32768x128xf32, #tpu.memory_space<hbm>> -> memref<512x128xf32, #tpu.memory_space<hbm>>
      tpu.enqueue_dma source(%arg6 : memref<512x128xf32, #tpu.memory_space<vmem>>) target(%dma_start3A_20 : memref<512x128xf32, #tpu.memory_space<hbm>>) target_semaphore(%run_scoped3A : memref<!tpu.dma_semaphore, #tpu.memory_space<semaphore_mem>>)
      %dma_wait3A_21 = arith.constant 0 : i32
      %dma_wait3A_22 = tpu.memref_slice %arg4[%add3A_4, %dma_wait3A_21] : memref<32768x128xf32, #tpu.memory_space<hbm>> -> memref<512x128xf32, #tpu.memory_space<hbm>>
      %dma_wait3A_23 = arith.constant 0 : i32
      %dma_wait3A_24 = tpu.memref_slice %arg4[%add3A_4, %dma_wait3A_23] : memref<32768x128xf32, #tpu.memory_space<hbm>> -> memref<512x128xf32, #tpu.memory_space<hbm>>
      tpu.wait_dma2 semaphore(%run_scoped3A : memref<!tpu.dma_semaphore, #tpu.memory_space<semaphore_mem>>) src(%arg6 : memref<512x128xf32, #tpu.memory_space<vmem>>) dst(%dma_wait3A_24 : memref<512x128xf32, #tpu.memory_space<hbm>>)
      tpu.yield
    }) : () -> ()
    %add3A_9 = arith.constant 512 : i32
    %add3A_10 = arith.addi %mul3A_2, %add3A_9 : i32
    "tpu.region"() ({
      %run_scoped3A = tpu.sem_alloc : memref<!tpu.dma_semaphore, #tpu.memory_space<semaphore_mem>>
      %dma_start3A_17 = tpu.memref_slice %arg3[%add3A_10] : memref<32768xi32, #tpu.memory_space<hbm>> -> memref<512xi32, #tpu.memory_space<hbm>>
      %dma_start3A_18 = tpu.memref_slice %arg3[%add3A_10] : memref<32768xi32, #tpu.memory_space<hbm>> -> memref<512xi32, #tpu.memory_space<hbm>>
      tpu.enqueue_dma source(%dma_start3A_18 : memref<512xi32, #tpu.memory_space<hbm>>) target(%arg5 : memref<512xi32, #tpu.memory_space<vmem>>) target_semaphore(%run_scoped3A : memref<!tpu.dma_semaphore, #tpu.memory_space<semaphore_mem>>)
      %dma_wait3A_19 = tpu.memref_slice %arg3[%add3A_10] : memref<32768xi32, #tpu.memory_space<hbm>> -> memref<512xi32, #tpu.memory_space<hbm>>
      %dma_wait3A_20 = tpu.memref_slice %arg3[%add3A_10] : memref<32768xi32, #tpu.memory_space<hbm>> -> memref<512xi32, #tpu.memory_space<hbm>>
      tpu.wait_dma2 semaphore(%run_scoped3A : memref<!tpu.dma_semaphore, #tpu.memory_space<semaphore_mem>>) src(%dma_wait3A_20 : memref<512xi32, #tpu.memory_space<hbm>>) dst(%arg5 : memref<512xi32, #tpu.memory_space<vmem>>)
      tpu.yield
    }) : () -> ()
    %dma_start3A_11 = arith.constant 0 : i32
    %dma_start3A_12 = arith.constant 0 : i32
    %dma_start3A_13 = tpu.memref_slice %arg2[%dma_start3A_11, %dma_start3A_12] : memref<4096x128xf32, #tpu.memory_space<hbm>> -> memref<4096x128xf32, #tpu.memory_space<hbm>>
    tpu.enqueue_indirect_dma source(%dma_start3A_13 : memref<4096x128xf32, #tpu.memory_space<hbm>>) target(%arg6 : memref<512x128xf32, #tpu.memory_space<vmem>>) offsets(%arg5 : memref<512xi32, #tpu.memory_space<vmem>>) semaphore(%arg7 : memref<!tpu.dma_semaphore, #tpu.memory_space<semaphore_mem>>)
    %dma_wait3A_14 = arith.constant 0 : i32
    %dma_wait3A_15 = arith.constant 0 : i32
    %dma_wait3A_16 = tpu.memref_slice %arg2[%dma_wait3A_14, %dma_wait3A_15] : memref<4096x128xf32, #tpu.memory_space<hbm>> -> memref<4096x128xf32, #tpu.memory_space<hbm>>
    tpu.wait_indirect_dma semaphore(%arg7 : memref<!tpu.dma_semaphore, #tpu.memory_space<semaphore_mem>>) src(%dma_wait3A_16 : memref<4096x128xf32, #tpu.memory_space<hbm>>) dst(%arg6 : memref<512x128xf32, #tpu.memory_space<vmem>>)
    "tpu.region"() ({
      %run_scoped3A = tpu.sem_alloc : memref<!tpu.dma_semaphore, #tpu.memory_space<semaphore_mem>>
      %dma_start3A_17 = arith.constant 0 : i32
      %dma_start3A_18 = tpu.memref_slice %arg4[%add3A_10, %dma_start3A_17] : memref<32768x128xf32, #tpu.memory_space<hbm>> -> memref<512x128xf32, #tpu.memory_space<hbm>>
      %dma_start3A_19 = arith.constant 0 : i32
      %dma_start3A_20 = tpu.memref_slice %arg4[%add3A_10, %dma_start3A_19] : memref<32768x128xf32, #tpu.memory_space<hbm>> -> memref<512x128xf32, #tpu.memory_space<hbm>>
      tpu.enqueue_dma source(%arg6 : memref<512x128xf32, #tpu.memory_space<vmem>>) target(%dma_start3A_20 : memref<512x128xf32, #tpu.memory_space<hbm>>) target_semaphore(%run_scoped3A : memref<!tpu.dma_semaphore, #tpu.memory_space<semaphore_mem>>)
      %dma_wait3A_21 = arith.constant 0 : i32
      %dma_wait3A_22 = tpu.memref_slice %arg4[%add3A_10, %dma_wait3A_21] : memref<32768x128xf32, #tpu.memory_space<hbm>> -> memref<512x128xf32, #tpu.memory_space<hbm>>
      %dma_wait3A_23 = arith.constant 0 : i32
      %dma_wait3A_24 = tpu.memref_slice %arg4[%add3A_10, %dma_wait3A_23] : memref<32768x128xf32, #tpu.memory_space<hbm>> -> memref<512x128xf32, #tpu.memory_space<hbm>>
      tpu.wait_dma2 semaphore(%run_scoped3A : memref<!tpu.dma_semaphore, #tpu.memory_space<semaphore_mem>>) src(%arg6 : memref<512x128xf32, #tpu.memory_space<vmem>>) dst(%dma_wait3A_24 : memref<512x128xf32, #tpu.memory_space<hbm>>)
      tpu.yield
    }) : () -> ()
    return
  }
}

module attributes {stable_mosaic.version = 14 : i64} {
  func.func @_body(%arg0: i32, %arg1: i32, %arg2: memref<2x1x64x1024xf32, #tpu.memory_space<vmem>>, %arg3: memref<1x1024x64xf32, #tpu.memory_space<vmem>>, %arg4: memref<1x2x8x128xi32, #tpu.memory_space<vmem>>) attributes {dimension_semantics = [#tpu.dimension_semantics<parallel>, #tpu.dimension_semantics<parallel>], iteration_bounds = array<i64: 4, 4>, scalar_prefetch = 0 : i64, scratch_operands = 0 : i64, tpu.core_type = #tpu.core_type<tc>, window_params = [{transform_indices = @transform_0, window_bounds = array<i64: 2, 1, 64, 1024>}, {transform_indices = @transform_1, window_bounds = array<i64: 1, 1024, 64>}, {transform_indices = @transform_2, window_bounds = array<i64: 1, 2, 8, 128>}]} {
    %get3A = arith.constant 0 : index
    %get3A_0 = arith.constant 0 : index
    %get3A_1 = arith.constant 0 : index
    %get3A_2 = arith.constant 0 : index
    %get3A_3 = vector.load %arg2[%get3A, %get3A_0, %get3A_1, %get3A_2] : memref<2x1x64x1024xf32, #tpu.memory_space<vmem>>, vector<1x1x64x1024xf32>
    %get3A_4 = vector.shape_cast %get3A_3 : vector<1x1x64x1024xf32> to vector<64x1024xf32>
    %get3A_5 = arith.constant 0 : index
    %get3A_6 = arith.constant 0 : index
    %get3A_7 = arith.constant 0 : index
    %get3A_8 = vector.load %arg3[%get3A_5, %get3A_6, %get3A_7] : memref<1x1024x64xf32, #tpu.memory_space<vmem>>, vector<1x1024x64xf32>
    %get3A_9 = vector.shape_cast %get3A_8 : vector<1x1024x64xf32> to vector<1024x64xf32>
    %dot_general3A = arith.constant dense<0.000000e+00> : vector<1024x1024xf32>
    %dot_general3A_10 = tpu.matmul %get3A_9, %get3A_4, %dot_general3A {dimension_numbers = #tpu.dot_dimension_numbers<[1], [0], [0], [1], [0, 0, 1, 1], [], []>, transpose_lhs_hint = false} : vector<1024x64xf32>, vector<64x1024xf32>, vector<1024x1024xf32> -> vector<1024x1024xf32>
    %mul3A = arith.mulf %get3A_9, %get3A_9 : vector<1024x64xf32>
    %reduce_sum3A = arith.constant dense<0.000000e+00> : vector<1024xf32>
    %reduce_sum3A_11 = vector.multi_reduction <add>, %mul3A, %reduce_sum3A [1] : vector<1024x64xf32> to vector<1024xf32>
    %broadcast_in_dim3A = vector.shape_cast %reduce_sum3A_11 : vector<1024xf32> to vector<1024x1xf32>
    %mul3A_12 = arith.mulf %get3A_4, %get3A_4 : vector<64x1024xf32>
    %reduce_sum3A_13 = arith.constant dense<0.000000e+00> : vector<1024xf32>
    %reduce_sum3A_14 = vector.multi_reduction <add>, %mul3A_12, %reduce_sum3A_13 [0] : vector<64x1024xf32> to vector<1024xf32>
    %broadcast_in_dim3A_15 = vector.shape_cast %reduce_sum3A_14 : vector<1024xf32> to vector<1x1024xf32>
    %add3A = vector.broadcast %broadcast_in_dim3A_15 : vector<1x1024xf32> to vector<1024x1024xf32>
    %add3A_16 = vector.broadcast %broadcast_in_dim3A : vector<1024x1xf32> to vector<1024x1024xf32>
    %add3A_17 = arith.addf %add3A, %add3A_16 : vector<1024x1024xf32>
    %mul3A_18 = arith.constant 2.000000e+00 : f32
    %mul3A_19 = vector.broadcast %mul3A_18 : f32 to vector<1024x1024xf32>
    %mul3A_20 = arith.mulf %mul3A_19, %dot_general3A_10 : vector<1024x1024xf32>
    %sub3A = arith.subf %add3A_17, %mul3A_20 : vector<1024x1024xf32>
    %reduce_min3A = arith.constant dense<0x7F800000> : vector<1024xf32>
    %reduce_min3A_21 = vector.multi_reduction <minimumf>, %sub3A, %reduce_min3A [0] : vector<1024x1024xf32> to vector<1024xf32>
    %broadcast_in_dim3A_22 = vector.shape_cast %reduce_min3A_21 : vector<1024xf32> to vector<1x1024xf32>
    %max3A = arith.constant 0.000000e+00 : f32
    %max3A_23 = vector.broadcast %max3A : f32 to vector<1x1024xf32>
    %max3A_24 = arith.maximumf %broadcast_in_dim3A_22, %max3A_23 : vector<1x1024xf32>
    %sqrt3A = math.sqrt %max3A_24 : vector<1x1024xf32>
    %bitcast_convert_type3A = tpu.bitcast %broadcast_in_dim3A_22 : vector<1x1024xf32> -> vector<1x1024xi32>
    %add3A_25 = arith.constant 1 : i32
    %add3A_26 = vector.broadcast %add3A_25 : i32 to vector<1x1024xi32>
    %add3A_27 = arith.addi %bitcast_convert_type3A, %add3A_26 : vector<1x1024xi32>
    %bitcast_convert_type3A_28 = tpu.bitcast %add3A_27 : vector<1x1024xi32> -> vector<1x1024xf32>
    %max3A_29 = arith.constant 0.000000e+00 : f32
    %max3A_30 = vector.broadcast %max3A_29 : f32 to vector<1x1024xf32>
    %max3A_31 = arith.maximumf %bitcast_convert_type3A_28, %max3A_30 : vector<1x1024xf32>
    %sqrt3A_32 = math.sqrt %max3A_31 : vector<1x1024xf32>
    %eq3A = arith.cmpf oeq, %sqrt3A_32, %sqrt3A : vector<1x1024xf32>
    %select_n3A = arith.select %eq3A, %bitcast_convert_type3A_28, %broadcast_in_dim3A_22 : vector<1x1024xi1>, vector<1x1024xf32>
    %add3A_33 = arith.constant 2 : i32
    %add3A_34 = vector.broadcast %add3A_33 : i32 to vector<1x1024xi32>
    %add3A_35 = arith.addi %bitcast_convert_type3A, %add3A_34 : vector<1x1024xi32>
    %bitcast_convert_type3A_36 = tpu.bitcast %add3A_35 : vector<1x1024xi32> -> vector<1x1024xf32>
    %max3A_37 = arith.constant 0.000000e+00 : f32
    %max3A_38 = vector.broadcast %max3A_37 : f32 to vector<1x1024xf32>
    %max3A_39 = arith.maximumf %bitcast_convert_type3A_36, %max3A_38 : vector<1x1024xf32>
    %sqrt3A_40 = math.sqrt %max3A_39 : vector<1x1024xf32>
    %eq3A_41 = arith.cmpf oeq, %sqrt3A_40, %sqrt3A : vector<1x1024xf32>
    %select_n3A_42 = arith.select %eq3A_41, %bitcast_convert_type3A_36, %select_n3A : vector<1x1024xi1>, vector<1x1024xf32>
    %add3A_43 = arith.constant 3 : i32
    %add3A_44 = vector.broadcast %add3A_43 : i32 to vector<1x1024xi32>
    %add3A_45 = arith.addi %bitcast_convert_type3A, %add3A_44 : vector<1x1024xi32>
    %bitcast_convert_type3A_46 = tpu.bitcast %add3A_45 : vector<1x1024xi32> -> vector<1x1024xf32>
    %max3A_47 = arith.constant 0.000000e+00 : f32
    %max3A_48 = vector.broadcast %max3A_47 : f32 to vector<1x1024xf32>
    %max3A_49 = arith.maximumf %bitcast_convert_type3A_46, %max3A_48 : vector<1x1024xf32>
    %sqrt3A_50 = math.sqrt %max3A_49 : vector<1x1024xf32>
    %eq3A_51 = arith.cmpf oeq, %sqrt3A_50, %sqrt3A : vector<1x1024xf32>
    %select_n3A_52 = arith.select %eq3A_51, %bitcast_convert_type3A_46, %select_n3A_42 : vector<1x1024xi1>, vector<1x1024xf32>
    %eq3A_53 = arith.constant 0.000000e+00 : f32
    %eq3A_54 = vector.broadcast %eq3A_53 : f32 to vector<1x1024xf32>
    %eq3A_55 = arith.cmpf oeq, %sqrt3A, %eq3A_54 : vector<1x1024xf32>
    %jit3A = arith.constant 0.000000e+00 : f32
    %broadcast_in_dim3A_56 = vector.broadcast %jit3A : f32 to vector<1x1024xf32>
    %select_n3A_57 = arith.select %eq3A_55, %broadcast_in_dim3A_56, %select_n3A_52 : vector<1x1024xi1>, vector<1x1024xf32>
    %max3A_58 = vector.broadcast %select_n3A_57 : vector<1x1024xf32> to vector<1024x1024xf32>
    %max3A_59 = arith.maximumf %sub3A, %max3A_58 : vector<1024x1024xf32>
    %argmin3A = tpu.reduce_index %max3A_59 {axis = 0 : i32, kind = #tpu.reduction_kind<arg_min>} : vector<1024x1024xf32> -> vector<1024xi32>
    %reshape3A = vector.shape_cast %argmin3A : vector<1024xi32> to vector<8x128xi32>
    %swap3A = arith.constant 0 : index
    %swap3A_60 = arith.constant 0 : index
    %swap3A_61 = arith.constant 0 : index
    %swap3A_62 = arith.constant 0 : index
    %swap3A_63 = vector.load %arg4[%swap3A, %swap3A_60, %swap3A_61, %swap3A_62] : memref<1x2x8x128xi32, #tpu.memory_space<vmem>>, vector<1x1x8x128xi32>
    %swap3A_64 = vector.shape_cast %swap3A_63 : vector<1x1x8x128xi32> to vector<8x128xi32>
    %swap3A_65 = vector.shape_cast %reshape3A : vector<8x128xi32> to vector<1x1x8x128xi32>
    tpu.vector_store %arg4[%swap3A, %swap3A_60, %swap3A_61, %swap3A_62], %swap3A_65 {strides = array<i32>} : memref<1x2x8x128xi32, #tpu.memory_space<vmem>>, vector<1x1x8x128xi32>,
    %get3A_66 = arith.constant 1 : index
    %get3A_67 = arith.constant 0 : index
    %get3A_68 = arith.constant 0 : index
    %get3A_69 = arith.constant 0 : index
    %get3A_70 = vector.load %arg2[%get3A_66, %get3A_67, %get3A_68, %get3A_69] : memref<2x1x64x1024xf32, #tpu.memory_space<vmem>>, vector<1x1x64x1024xf32>
    %get3A_71 = vector.shape_cast %get3A_70 : vector<1x1x64x1024xf32> to vector<64x1024xf32>
    %get3A_72 = arith.constant 0 : index
    %get3A_73 = arith.constant 0 : index
    %get3A_74 = arith.constant 0 : index
    %get3A_75 = vector.load %arg3[%get3A_72, %get3A_73, %get3A_74] : memref<1x1024x64xf32, #tpu.memory_space<vmem>>, vector<1x1024x64xf32>
    %get3A_76 = vector.shape_cast %get3A_75 : vector<1x1024x64xf32> to vector<1024x64xf32>
    %dot_general3A_77 = arith.constant dense<0.000000e+00> : vector<1024x1024xf32>
    %dot_general3A_78 = tpu.matmul %get3A_76, %get3A_71, %dot_general3A_77 {dimension_numbers = #tpu.dot_dimension_numbers<[1], [0], [0], [1], [0, 0, 1, 1], [], []>, transpose_lhs_hint = false} : vector<1024x64xf32>, vector<64x1024xf32>, vector<1024x1024xf32> -> vector<1024x1024xf32>
    %mul3A_79 = arith.mulf %get3A_76, %get3A_76 : vector<1024x64xf32>
    %reduce_sum3A_80 = arith.constant dense<0.000000e+00> : vector<1024xf32>
    %reduce_sum3A_81 = vector.multi_reduction <add>, %mul3A_79, %reduce_sum3A_80 [1] : vector<1024x64xf32> to vector<1024xf32>
    %broadcast_in_dim3A_82 = vector.shape_cast %reduce_sum3A_81 : vector<1024xf32> to vector<1024x1xf32>
    %mul3A_83 = arith.mulf %get3A_71, %get3A_71 : vector<64x1024xf32>
    %reduce_sum3A_84 = arith.constant dense<0.000000e+00> : vector<1024xf32>
    %reduce_sum3A_85 = vector.multi_reduction <add>, %mul3A_83, %reduce_sum3A_84 [0] : vector<64x1024xf32> to vector<1024xf32>
    %broadcast_in_dim3A_86 = vector.shape_cast %reduce_sum3A_85 : vector<1024xf32> to vector<1x1024xf32>
    %add3A_87 = vector.broadcast %broadcast_in_dim3A_86 : vector<1x1024xf32> to vector<1024x1024xf32>
    %add3A_88 = vector.broadcast %broadcast_in_dim3A_82 : vector<1024x1xf32> to vector<1024x1024xf32>
    %add3A_89 = arith.addf %add3A_87, %add3A_88 : vector<1024x1024xf32>
    %mul3A_90 = arith.constant 2.000000e+00 : f32
    %mul3A_91 = vector.broadcast %mul3A_90 : f32 to vector<1024x1024xf32>
    %mul3A_92 = arith.mulf %mul3A_91, %dot_general3A_78 : vector<1024x1024xf32>
    %sub3A_93 = arith.subf %add3A_89, %mul3A_92 : vector<1024x1024xf32>
    %reduce_min3A_94 = arith.constant dense<0x7F800000> : vector<1024xf32>
    %reduce_min3A_95 = vector.multi_reduction <minimumf>, %sub3A_93, %reduce_min3A_94 [0] : vector<1024x1024xf32> to vector<1024xf32>
    %broadcast_in_dim3A_96 = vector.shape_cast %reduce_min3A_95 : vector<1024xf32> to vector<1x1024xf32>
    %max3A_97 = arith.constant 0.000000e+00 : f32
    %max3A_98 = vector.broadcast %max3A_97 : f32 to vector<1x1024xf32>
    %max3A_99 = arith.maximumf %broadcast_in_dim3A_96, %max3A_98 : vector<1x1024xf32>
    %sqrt3A_100 = math.sqrt %max3A_99 : vector<1x1024xf32>
    %bitcast_convert_type3A_101 = tpu.bitcast %broadcast_in_dim3A_96 : vector<1x1024xf32> -> vector<1x1024xi32>
    %add3A_102 = arith.constant 1 : i32
    %add3A_103 = vector.broadcast %add3A_102 : i32 to vector<1x1024xi32>
    %add3A_104 = arith.addi %bitcast_convert_type3A_101, %add3A_103 : vector<1x1024xi32>
    %bitcast_convert_type3A_105 = tpu.bitcast %add3A_104 : vector<1x1024xi32> -> vector<1x1024xf32>
    %max3A_106 = arith.constant 0.000000e+00 : f32
    %max3A_107 = vector.broadcast %max3A_106 : f32 to vector<1x1024xf32>
    %max3A_108 = arith.maximumf %bitcast_convert_type3A_105, %max3A_107 : vector<1x1024xf32>
    %sqrt3A_109 = math.sqrt %max3A_108 : vector<1x1024xf32>
    %eq3A_110 = arith.cmpf oeq, %sqrt3A_109, %sqrt3A_100 : vector<1x1024xf32>
    %select_n3A_111 = arith.select %eq3A_110, %bitcast_convert_type3A_105, %broadcast_in_dim3A_96 : vector<1x1024xi1>, vector<1x1024xf32>
    %add3A_112 = arith.constant 2 : i32
    %add3A_113 = vector.broadcast %add3A_112 : i32 to vector<1x1024xi32>
    %add3A_114 = arith.addi %bitcast_convert_type3A_101, %add3A_113 : vector<1x1024xi32>
    %bitcast_convert_type3A_115 = tpu.bitcast %add3A_114 : vector<1x1024xi32> -> vector<1x1024xf32>
    %max3A_116 = arith.constant 0.000000e+00 : f32
    %max3A_117 = vector.broadcast %max3A_116 : f32 to vector<1x1024xf32>
    %max3A_118 = arith.maximumf %bitcast_convert_type3A_115, %max3A_117 : vector<1x1024xf32>
    %sqrt3A_119 = math.sqrt %max3A_118 : vector<1x1024xf32>
    %eq3A_120 = arith.cmpf oeq, %sqrt3A_119, %sqrt3A_100 : vector<1x1024xf32>
    %select_n3A_121 = arith.select %eq3A_120, %bitcast_convert_type3A_115, %select_n3A_111 : vector<1x1024xi1>, vector<1x1024xf32>
    %add3A_122 = arith.constant 3 : i32
    %add3A_123 = vector.broadcast %add3A_122 : i32 to vector<1x1024xi32>
    %add3A_124 = arith.addi %bitcast_convert_type3A_101, %add3A_123 : vector<1x1024xi32>
    %bitcast_convert_type3A_125 = tpu.bitcast %add3A_124 : vector<1x1024xi32> -> vector<1x1024xf32>
    %max3A_126 = arith.constant 0.000000e+00 : f32
    %max3A_127 = vector.broadcast %max3A_126 : f32 to vector<1x1024xf32>
    %max3A_128 = arith.maximumf %bitcast_convert_type3A_125, %max3A_127 : vector<1x1024xf32>
    %sqrt3A_129 = math.sqrt %max3A_128 : vector<1x1024xf32>
    %eq3A_130 = arith.cmpf oeq, %sqrt3A_129, %sqrt3A_100 : vector<1x1024xf32>
    %select_n3A_131 = arith.select %eq3A_130, %bitcast_convert_type3A_125, %select_n3A_121 : vector<1x1024xi1>, vector<1x1024xf32>
    %eq3A_132 = arith.constant 0.000000e+00 : f32
    %eq3A_133 = vector.broadcast %eq3A_132 : f32 to vector<1x1024xf32>
    %eq3A_134 = arith.cmpf oeq, %sqrt3A_100, %eq3A_133 : vector<1x1024xf32>
    %jit3A_135 = arith.constant 0.000000e+00 : f32
    %broadcast_in_dim3A_136 = vector.broadcast %jit3A_135 : f32 to vector<1x1024xf32>
    %select_n3A_137 = arith.select %eq3A_134, %broadcast_in_dim3A_136, %select_n3A_131 : vector<1x1024xi1>, vector<1x1024xf32>
    %max3A_138 = vector.broadcast %select_n3A_137 : vector<1x1024xf32> to vector<1024x1024xf32>
    %max3A_139 = arith.maximumf %sub3A_93, %max3A_138 : vector<1024x1024xf32>
    %argmin3A_140 = tpu.reduce_index %max3A_139 {axis = 0 : i32, kind = #tpu.reduction_kind<arg_min>} : vector<1024x1024xf32> -> vector<1024xi32>
    %reshape3A_141 = vector.shape_cast %argmin3A_140 : vector<1024xi32> to vector<8x128xi32>
    %swap3A_142 = arith.constant 0 : index
    %swap3A_143 = arith.constant 1 : index
    %swap3A_144 = arith.constant 0 : index
    %swap3A_145 = arith.constant 0 : index
    %swap3A_146 = vector.load %arg4[%swap3A_142, %swap3A_143, %swap3A_144, %swap3A_145] : memref<1x2x8x128xi32, #tpu.memory_space<vmem>>, vector<1x1x8x128xi32>
    %swap3A_147 = vector.shape_cast %swap3A_146 : vector<1x1x8x128xi32> to vector<8x128xi32>
    %swap3A_148 = vector.shape_cast %reshape3A_141 : vector<8x128xi32> to vector<1x1x8x128xi32>
    tpu.vector_store %arg4[%swap3A_142, %swap3A_143, %swap3A_144, %swap3A_145], %swap3A_148 {strides = array<i32>} : memref<1x2x8x128xi32, #tpu.memory_space<vmem>>, vector<1x1x8x128xi32>,
    return
  }
  func.func @transform_0(%arg0: i32, %arg1: i32) -> (i32, i32, i32, i32) {
    %c0_i32 = arith.constant 0 : i32
    %c0_i32_0 = arith.constant 0 : i32
    %c0_i32_1 = arith.constant 0 : i32
    return %arg1, %arg0, %c0_i32, %c0_i32_0 : i32, i32, i32, i32
  }
  func.func @transform_1(%arg0: i32, %arg1: i32) -> (i32, i32, i32) {
    %c0_i32 = arith.constant 0 : i32
    %c0_i32_0 = arith.constant 0 : i32
    %c0_i32_1 = arith.constant 0 : i32
    return %arg0, %c0_i32, %c0_i32_0 : i32, i32, i32
  }
  func.func @transform_2(%arg0: i32, %arg1: i32) -> (i32, i32, i32, i32) {
    %c0_i32 = arith.constant 0 : i32
    %c0_i32_0 = arith.constant 0 : i32
    %c0_i32_1 = arith.constant 0 : i32
    return %arg0, %arg1, %c0_i32, %c0_i32_0 : i32, i32, i32, i32
  }
}

</mosaic_0001>

<sc_bundles>
// kernel: kernel.4.cloned.1.call-start
scs
__scs_entry_jumppad:
0x0: {  	(pc) =	sbr.rel $0x88, $3  }
0x1: {  	(tag) =	ssettag $0x0;
	lr =	simm.s32 $0x1  }
0x2: {  	[smem:$0x3F9F] =	sst lr;
	_ =	strace $0xD0000000  }
0x3: {  	_ = 	snop  }
0x4: {  	_ = 	snop  }
0x5: {  	_ = 	snop  }
0x6: {  	_ = 	snop  }
0x7: {  	_ = 	snop  }
__scs_overlays_trampoline_lowered:
0x8: {  	[smem:$0x3FAE] =	sst s0  }
0x9: {  	[smem:$0x3FAF] =	sst s1  }
0xa: {  	[smem:$0x3FB0] =	sst s2  }
0xb: {  	[smem:$0x3FB1] =	sst s3  }
0xc: {  	[smem:$0x3FB2] =	sst s4  }
0xd: {  	[smem:$0x3FB3] =	sst s5  }
0xe: {  	[smem:$0x3FB4] =	sst s6  }
0xf: {  	[smem:$0x3FB5] =	sst s7  }
0x10: {  	[smem:$0x3FB6] =	sst s8  }
0x11: {  	[smem:$0x3FB7] =	sst s9;
	s0 =	simm.s32 @!p0 $0x0  }
0x12: {  	s1 =	sld [smem:$0x3F9D];
	s0 =	simm.s32 @p0 $0x1  }
0x13: {  	[smem:$0x3FB8] =	sst s0;
	s0 =	simm.s32 @!p1 $0x0  }
0x14: {  	s2 =	sld [smem:$0x3F9C];
	s0 =	simm.s32 @p1 $0x1  }
0x15: {  	[smem:$0x3FB9] =	sst s0;
	s0 =	simm.s32 @!p2 $0x0  }
0x16: {  	s3 =	sld [smem:$0x3FDB];
	s0 =	simm.s32 @p2 $0x1  }
0x17: {  	s4 =	simm.s32 $0x1BF5;
	[smem:$0x3FBB] =	sst s0  }
0x18: {  	s0 =	sld [smem:$0x3F9E];
	_ =	swait.ge [sflag:s4], $0x0  }
0x19: {  	s7 =	sld [smem:$0x3F9F]  }
0x1a: {  	s8 =	sadd.s32 $0xFFFFE003, lr  }
0x1b: {  	s9 =	sadd.s32 $0xFFFFFEF7, lr;
	s5 =	simm.s32 $0xFFFFFFFF;
	p2 =	slt.u32 s8, $0xFFFFF086  }
0x1c: {  	p1 =	slt.u32 s9, $0xF7A;
	s5 =	simm.s32 @!p2 $0x0  }
0x1d: {  	s5 =	simm.s32 @p1 $0x1;
	p0 =	seq.s32 s7, s2  }
0x1e: {  	s7 =	smul.u32 @!p0 $0xF7A, s2;
	p2 =	seq.s32 @!p0 s5, $0x0  }
0x1f: {  	s9 =	smul.u32 $0xF7A, s1;
	s8 =	simm.s32 @!p0 $0x1BF5;
	p2 =	por !p2, p0  }
0x20: {  	[sflag:s8] =	ssyncset.s32 @!p0 $0xFFFFF086;
	s6 =	sadd.s32 @!p0 s3, s7;
	s7 =	simm.s32 @!p0 $0x108  }
0x21: {  	s3 =	sadd.s32 s3, s9;
	s6 =	sadd.s32 @!p0 $0x88, s6;
	s7 =	simm.s32 @p2 $0x1082  }
0x22: {  	[simem:s7], [sflag:s8] =	dma.local @!p0 [hbm:s6], $0xF7A  }
0x23: {  	s9 =	sor.u32 $0xD0000000, s2;
	s6 =	simm.s32 $0x108;
	_ =	swait.ge @!p0 [sflag:s8], $0x0  }
0x24: {  	s3 =	sadd.s32 $0x88, s3;
	s6 =	simm.s32 @!p1 $0x1082;
	[sflag:s4] =	ssyncset.s32 $0xFFFFF086  }
0x25: {  	[simem:s6], [sflag:s4] =	dma.local [hbm:s3], $0xF7A  }
0x26: {  	[smem:$0x3F9F] =	sst s1;
	(tag) =	ssettag s2;
	_ =	strace s9  }
0x27: {  	s1 =	sld [smem:$0x3FAF]  }
0x28: {  	s2 =	sld [smem:$0x3FB0]  }
0x29: {  	s4 =	sld [smem:$0x3FB2]  }
0x2a: {  	p0 =	seq.s32 s5, $0x0;
	s5 =	sld [smem:$0x3FB3]  }
0x2b: {  	s6 =	sld [smem:$0x3FB4]  }
0x2c: {  	s7 =	sld [smem:$0x3FB5]  }
0x2d: {  	s3 =	simm.s32 $0x108;
	s8 =	sld [smem:$0x3FB6]  }
0x2e: {  	s3 =	simm.s32 @!p0 $0x1082;
	s9 =	sld [smem:$0x3FB7]  }
0x2f: {  	lr =	sadd.s32 s0, s3;
	s0 =	sld [smem:$0x3FAE]  }
0x30: {  	s3 =	sld [smem:$0x3FB1]  }
0x31: {  	[smem:$0x3FBA] =	sst s10  }
0x32: {  	s10 =	sld [smem:$0x3FB8];
	_ =	sdelay $0x3  }
0x33: {  	p0 =	seq.s32 s10, $0x1;
	s10 =	sld [smem:$0x3FBA];
	_ =	sdelay $0x3  }
0x34: {  	[smem:$0x3FBA] =	sst s10  }
0x35: {  	s10 =	sld [smem:$0x3FB9];
	_ =	sdelay $0x3  }
0x36: {  	p1 =	seq.s32 s10, $0x1;
	s10 =	sld [smem:$0x3FBA];
	_ =	sdelay $0x3  }
0x37: {  	[smem:$0x3FBA] =	sst s10  }
0x38: {  	s10 =	sld [smem:$0x3FBB]  }
0x39: {  	_ = 	snop;
	(pc) =	sbr.ind lr, $3  }
0x3a: {  	_ = 	snop  }
0x3b: {  	_ = 	snop  }
0x3c: {  	p2 =	seq.s32 s10, $0x1;
	s10 =	sld [smem:$0x3FBA]  }
0x3d: {  	_ =	shalt  }
0x3e: {  	_ =	shalt  }
0x3f: {  	_ =	shalt  }
0x40: {  	_ =	shalt  }
0x41: {  	_ =	shalt  }
0x42: {  	_ =	shalt  }
0x43: {  	_ =	shalt  }
0x44: {  	_ =	shalt  }
0x45: {  	_ =	shalt  }
0x46: {  	_ =	shalt  }
0x47: {  	_ =	shalt  }
0x48: {  	_ =	shalt  }
0x49: {  	_ =	shalt  }
0x4a: {  	_ =	shalt  }
0x4b: {  	_ =	shalt  }
0x4c: {  	_ =	shalt  }
0x4d: {  	_ =	shalt  }
0x4e: {  	_ =	shalt  }
0x4f: {  	_ =	shalt  }
0x50: {  	_ =	shalt  }
0x51: {  	_ =	shalt  }
0x52: {  	_ =	shalt  }
0x53: {  	_ =	shalt  }
0x54: {  	_ =	shalt  }
0x55: {  	_ =	shalt  }
0x56: {  	_ =	shalt  }
0x57: {  	_ =	shalt  }
0x58: {  	_ =	shalt  }
0x59: {  	_ =	shalt  }
0x5a: {  	_ =	shalt  }
0x5b: {  	_ =	shalt  }
0x5c: {  	_ =	shalt  }
0x5d: {  	_ =	shalt  }
0x5e: {  	_ =	shalt  }
0x5f: {  	_ =	shalt  }
0x60: {  	_ =	shalt  }
0x61: {  	_ =	shalt  }
0x62: {  	_ =	shalt  }
0x63: {  	_ =	shalt  }
0x64: {  	_ =	shalt  }
0x65: {  	_ =	shalt  }
0x66: {  	_ =	shalt  }
0x67: {  	_ =	shalt  }
0x68: {  	_ =	shalt  }
0x69: {  	_ =	shalt  }
0x6a: {  	_ =	shalt  }
0x6b: {  	_ =	shalt  }
0x6c: {  	_ =	shalt  }
0x6d: {  	_ =	shalt  }
0x6e: {  	_ =	shalt  }
0x6f: {  	_ =	shalt  }
0x70: {  	_ =	shalt  }
0x71: {  	_ =	shalt  }
0x72: {  	_ =	shalt  }
0x73: {  	_ =	shalt  }
0x74: {  	_ =	shalt  }
0x75: {  	_ =	shalt  }
0x76: {  	_ =	shalt  }
0x77: {  	_ =	shalt  }
0x78: {  	_ =	shalt  }
0x79: {  	_ =	shalt  }
0x7a: {  	_ =	shalt  }
0x7b: {  	_ =	shalt  }
0x7c: {  	_ =	shalt  }
0x7d: {  	_ =	shalt  }
0x7e: {  	_ =	shalt  }
0x7f: {  	_ =	shalt  }
0x80: {  	_ =	shalt  }
0x81: {  	_ =	shalt  }
0x82: {  	_ =	shalt  }
0x83: {  	_ =	shalt  }
0x84: {  	_ =	shalt  }
0x85: {  	_ =	shalt  }
0x86: {  	_ =	shalt  }
0x87: {  	_ =	shalt  }
.Lfunc_end0:
.L_simem_size_0:
called_computation_lowered:
.L_overlay_start_0:
0x88: {  	s2 =	sld [smem:$0x3FD9]  }
0x89: {  	s3 =	sld [smem:$0x3FFE];
	_ =	sdelay $0x1  }
0x8a: {  	s1 =	srdreg.scid  }
0x8b: {  	s0 =	sand.u32 $0x1, s1  }
0x8c: {  	s14 =	sshll.u32 s0, $0xA;
	s2 =	sadd.s32 s3, s2  }
0x8d: {  	s2 =	sadd.s32 s2, s14  }
0x8e: {  	[smem:$0x3FC6] =	sst s2  }
0x8f: {  	_ = 	snop  }
0x90: {  	s2 =	sld [smem:$0x3FD0];
	_ =	sdelay $0x2  }
0x91: {  	s15 =	simm.s32 $0xA;
	s4 =	simm.s32 $0x10  }
0x92: {  	[smem:s4], [sflag:s15] =	dma.local [hbm:s2], $0x1  }
0x93: {  	_ =	swait.eq [sflag:s15], $0x1  }
0x94: {  	[sflag:s15] =	ssyncset.done $0x0  }
0x95: {  	[sflag:s15] =	ssyncadd.s32 $0xFFFFFFFF  }
0x96: {  	s16 =	sld [smem:$0x10];
	(tm) =	ssettm $0x1  }
0x97: {  	s17 =	sld [smem:$0x3FFB];
	_ =	sdelay $0x3  }
0x98: {  	_ =	strace s17  }
0x99: {  	s3 =	sld [smem:$0x3FFC];
	_ =	sdelay $0x3  }
0x9a: {  	_ =	strace s3  }
0x9b: {  	s3 =	sld [smem:$0x3FFD];
	_ =	sdelay $0x3  }
0x9c: {  	_ =	strace s3  }
0x9d: {  	_ =	strace $0x8FFFFFFF  }
0x9e: {  	s18 =	sld [smem:$0x3FDB];
	_ =	sdelay $0x1  }
0x9f: {  	s19 =	simm.s32 $_scs_section_size  }
0xa0: {  	s5 =	simm.s32 $_size__tile_overlayer_lowered;
	s6 =	simm.s32 $_tile_overlayer_lowered  }
0xa1: {  	s22 =	simm.s32 $0x1BFF;
	s21 =	sshll.u32 s6, $0x1;
	s3 =	sadd.s32 s19, s18  }
0xa2: {  	s7 =	simm.s32 $0x0;
	s20 =	sshll.u32 s5, $0x1;
	s5 =	sadd.s32 s21, s3  }
0xa3: {  	[timem:s7], [sflag:s22] =	dma.local [hbm:s5], s20  }
0xa4: {  	_ =	swait.ge [sflag:s22], s20  }
0xa5: {  	s4 =	ssub.s32 $0x0, s20;
	[sflag:s22] =	ssyncset.done $0x0  }
0xa6: {  	[sflag:s22] =	ssyncadd.s32 s4;
	_ =	sdelay $0x1  }
0xa7: {  	s23 =	simm.s32 $0x1B8B  }
0xa8: {  	_ =	swait.ge [sflag:s23], $0x1  }
0xa9: {  	[sflag:s23] =	ssyncset.done $0x0  }
0xaa: {  	s25 =	simm.s32 $0x1B8E;
	s24 =	sld [smem:$0x3FFE];
	[sflag:s23] =	ssyncadd.s32 $0xFFFFFFFF  }
0xab: {  	s26 =	simm.s32 $execute0_lowered;
	[smem:$0x3FD2] =	sst s25  }
0xac: {  	s5 =	sshll.u32 s26, $0x1;
	_ =	strace $0x80000046;
	[dreg:$0x1] =	wrdreg $0xFFFFFFFF  }
0xad: {  	s28 =	simm.s32 $_size_execute0_lowered;
	s3 =	sadd.s32 s3, s5;
	[dreg:$0x0] =	wrdreg $0x0  }
0xae: {  	s5 =	sshll.u32 s28, $0x1;
	[dreg:$0x2] =	wrdreg s3  }
0xaf: {  	[dreg:$0x3] =	wrdreg s5  }
0xb0: {  	[dreg:$0x4] =	wrdreg $0xC0  }
0xb1: {  	_ =	task [dreg:s7], $0x5FFFF  }
0xb2: {  	[dreg:$0x1] =	wrdreg $0xFFFFFFFF  }
0xb3: {  	[dreg:$0x0] =	wrdreg $0x60  }
0xb4: {  	[dreg:$0x2] =	wrdreg s16  }
0xb5: {  	[dreg:$0x3] =	wrdreg s24  }
0xb6: {  	[dreg:$0x4] =	wrdreg $0x9  }
0xb7: {  	_ =	task.clear_ibuf [dreg:s7], $0x5FFFF;
	_ =	strace $0x90000046  }
0xb8: {  	s29 =	simm.s32 $0x9;
	_ =	strace $0x80000048  }
0xb9: {  	_ =	swait.ge [sflag:s29], $0x1  }
0xba: {  	[sflag:s29] =	ssyncadd.s32 $0xFFFFFFFF  }
0xbb: {  	_ =	strace $0x90000048  }
0xbc: {  	_ =	sfence  }
0xbd: {  	s30 =	sld [smem:$0x0];
	_ =	sdelay $0x2  }
0xbe: {  	s31 =	sshll.u32 s1, $0xD;
	s1 =	sshrl.u32 s1, $0x2  }
0xbf: {  	s3 =	sand.u32 $0x4000, s31;
	s1 =	sadd.s32 s1, s30  }
0xc0: {  	s0 =	sor.u32 s3, s0;
	s1 =	sshll.u32 s1, $0x11  }
0xc1: {  	s0 =	sor.u32 s1, s0  }
0xc2: {  	s0 =	sadd.s32 $0x8F2B, s0  }
0xc3: {  	[sflag:s0] =	ssyncadd.remote.s32 $0x1  }
0xc4: {  	_ =	sfence.sel $0xFFFF  }
0xc5: {  	[dreg:$0x0] =	wrdreg $0xFFFFFFFF;
	(pc) =	sbr.abs _section_cstart, $3  }
0xc6: {  	[dreg:$0x1] =	wrdreg $0xFFFFFFFF  }
0xc7: {  	_ =	task.clear_ibuf [dreg:s7], $0x2FFFF;
	_ =	strace $0x9FFFFFFF  }
0xc8: {  	(tm) =	ssettm $0x7FFFFFFF  }
0xc9: {  	_ =	shalt  }
tec
execute0_lowered:
.L_overlay_start_1:
0x0: {  	(tag) =	ssettag $0x1  }
0x1: {  	s1 =	srdreg.scid  }
0x2: {  	s2 =	rddreg [dreg:$0x0];
	s0 =	stileid.u32;
	s10 =	sand.u32 $0x1, s1  }
0x3: {  	s8 =	rddreg [dreg:$0x1];
	s4 =	sshll.u32 s0, $0xB;
	s5 =	sshll.u32 s10, $0xA  }
0x4: {  	s3 =	simm.s32 $0x0;
	s1 =	rddreg [dreg:$0x2];
	s9 =	sor.u32 s5, s4  }
0x5: {  	[smem:$0x7FF] =	sst s3;
	s11 =	sadd.s32 $0xC00, s8;
	s4 =	sshrl.u32 s9, $0x3  }
0x6: {  	_ =	strace $0x80000047;
	s5 =	sadd.s32 s11, s4;
	s4 =	simm.s32 $0x2  }
0x7: {  	[tilespmem:s3], [sflag:$0x2] =	stream.linear.gather [hbm4b:s5+s3], $0x200, $0x38;
	[tilespmem:$0x10200] =	vst v63  }
0x8: {  	_ =	swait.ge [sflag:s4], $0x200  }
0x9: {  	[sflag:s4] =	ssyncset.done $0x0  }
0xa: {  	s6 =	simm.s32 $0x200;
	s7 =	simm.s32 $0x1;
	[sflag:s4] =	ssyncadd.s32 $0xFFFFFE00  }
0xb: {  	[tilespmem:s6], [sflag:$0x1] =	stream.indirect.gather [hbm4b:s2+s6], $0x80, s3, s6, $0xb8;
	[tilespmem:$0x10200] =	vst v63  }
0xc: {  	_ =	swait.ge [sflag:s7], $0x10000  }
0xd: {  	s12 =	sadd.s32 $0x1C00, s8;
	s29 =	sshll.u32 s9, $0x4;
	[sflag:s7] =	ssyncset.done $0x0  }
0xe: {  	s8 =	sadd.s32 s12, s29;
	[sflag:s7] =	ssyncadd.s32 $0xFFFF0000  }
0xf: {  	[hbm4b:s8+s3] =	stream.linear.scatter [tilespmem:s6], [sflag:$0x2], $0x10000, $0x38;
	[tilespmem:$0x10200] =	vst v63  }
0x10: {  	s13 =	sor.u32 $0x200, s9;
	_ =	swait.ge [sflag:s4], $0x10000  }
0x11: {  	s9 =	sshrl.u32 s13, $0x3;
	[sflag:s4] =	ssyncset.done $0x0  }
0x12: {  	s10 =	ssub.s32 $0x2, s10;
	s9 =	sadd.s32 s11, s9;
	[sflag:s4] =	ssyncadd.s32 $0xFFFF0000  }
0x13: {  	[tilespmem:s3], [sflag:$0x2] =	stream.linear.gather [hbm4b:s9+s3], $0x200, $0x38;
	[tilespmem:$0x10200] =	vst v63  }
0x14: {  	s30 =	sshrl.u32 s10, $0x1;
	_ =	swait.ge [sflag:s4], $0x200  }
0x15: {  	s11 =	ssub.s32 s10, s30;
	[sflag:s4] =	ssyncset.done $0x0  }
0x16: {  	s11 =	smax.u32 s11, $0x1;
	[sflag:s4] =	ssyncadd.s32 $0xFFFFFE00  }
0x17: {  	[tilespmem:s6], [sflag:$0x1] =	stream.indirect.gather [hbm4b:s2+s6], $0x80, s3, s6, $0xb8;
	[tilespmem:$0x10200] =	vst v63  }
0x18: {  	p0 =	sne.s32 s11, $0x1;
	_ =	swait.ge [sflag:s7], $0x10000  }
.Ltmp0:
0x19: {  	s31 =	sshll.u32 s13, $0x4;
	[sflag:s7] =	ssyncset.done $0x0;
	(pc) =	sbr.rel @!p0 .LBB2_2-.Ltmp0, $4  }
0x1a: {  	s10 =	sadd.s32 s12, s31;
	[sflag:s7] =	ssyncadd.s32 $0xFFFF0000  }
0x1b: {  	[hbm4b:s10+s3] =	stream.linear.scatter [tilespmem:s6], [sflag:$0x2], $0x10000, $0x38;
	[tilespmem:$0x10200] =	vst v63  }
0x1c: {  	_ =	swait.ge [sflag:s4], $0x10000  }
0x1d: {  	s11 =	sadd.s32 $0xFFFFFFFF, s11;
	[sflag:s4] =	ssyncset.done $0x0  }
.LBB2_1:
0x1e: {  	p0 =	sne.s32 s11, $0x1;
	s11 =	sadd.s32 $0xFFFFFFFF, s11;
	[sflag:s4] =	ssyncadd.s32 $0xFFFF0000  }
0x1f: {  	[tilespmem:s3], [sflag:$0x2] =	stream.linear.gather [hbm4b:s5+s3], $0x200, $0x38;
	[tilespmem:$0x10200] =	vst v63  }
0x20: {  	_ =	swait.ge [sflag:s4], $0x200  }
0x21: {  	[sflag:s4] =	ssyncset.done $0x0  }
0x22: {  	[sflag:s4] =	ssyncadd.s32 $0xFFFFFE00  }
0x23: {  	[tilespmem:s6], [sflag:$0x1] =	stream.indirect.gather [hbm4b:s2+s6], $0x80, s3, s6, $0xb8;
	[tilespmem:$0x10200] =	vst v63  }
0x24: {  	_ =	swait.ge [sflag:s7], $0x10000  }
0x25: {  	[sflag:s7] =	ssyncset.done $0x0  }
0x26: {  	[sflag:s7] =	ssyncadd.s32 $0xFFFF0000  }
0x27: {  	[hbm4b:s8+s3] =	stream.linear.scatter [tilespmem:s6], [sflag:$0x2], $0x10000, $0x38;
	[tilespmem:$0x10200] =	vst v63  }
0x28: {  	_ =	swait.ge [sflag:s4], $0x10000  }
0x29: {  	[sflag:s4] =	ssyncset.done $0x0  }
0x2a: {  	[sflag:s4] =	ssyncadd.s32 $0xFFFF0000  }
0x2b: {  	[tilespmem:s3], [sflag:$0x2] =	stream.linear.gather [hbm4b:s9+s3], $0x200, $0x38;
	[tilespmem:$0x10200] =	vst v63  }
0x2c: {  	_ =	swait.ge [sflag:s4], $0x200  }
0x2d: {  	[sflag:s4] =	ssyncset.done $0x0  }
0x2e: {  	[sflag:s4] =	ssyncadd.s32 $0xFFFFFE00  }
0x2f: {  	[tilespmem:s6], [sflag:$0x1] =	stream.indirect.gather [hbm4b:s2+s6], $0x80, s3, s6, $0xb8;
	[tilespmem:$0x10200] =	vst v63  }
0x30: {  	_ =	swait.ge [sflag:s7], $0x10000  }
.Ltmp1:
0x31: {  	[sflag:s7] =	ssyncset.done $0x0;
	(pc) =	sbr.rel @p0 .LBB2_1-.Ltmp1, $4  }
0x32: {  	[sflag:s7] =	ssyncadd.s32 $0xFFFF0000  }
0x33: {  	[hbm4b:s10+s3] =	stream.linear.scatter [tilespmem:s6], [sflag:$0x2], $0x10000, $0x38;
	[tilespmem:$0x10200] =	vst v63  }
0x34: {  	_ =	swait.ge [sflag:s4], $0x10000  }
0x35: {  	[sflag:s4] =	ssyncset.done $0x0  }
.LBB2_2:
0x36: {  	[sflag:s4] =	ssyncadd.s32 $0xFFFF0000  }
0x37: {  	_ =	sfence.sel $0x180000  }
0x38: {  	[bflag:$0x0] =	sbarrier.arrive $0xFFFF  }
0x39: {  	p0 =	sne.s32 s0, $0x0;
	_ =	strace $0x90000047  }
0x3a: {  	s0 =	sadd.s32 @!p0 $0x100000, s1;
	[bflag:$0x2] =	sbarrier.arrive $0xFFFF  }
0x3b: {  	[sflag:s0] =	ssyncadd.tile.s32 @!p0 $0x1;
	_ =	shalt  }
.Lfunc_end2:
_tile_overlayer_lowered:
.L_overlay_start_2:
0x3c: {  	(tag) =	ssettag $0x2  }
0x3d: {  	s0 =	rddreg [dreg:$0x0];
	s2 =	stileid.u32  }
0x3e: {  	s1 =	rddreg [dreg:$0x1];
	p0 =	sne.s32 s2, $0x0  }
0x3f: {  	s3 =	rddreg [dreg:$0x2];
	[bflag:$0x3] =	sbarrier.arrive $0xFFFF;
	s2 =	simm.s32 @!p0 $0x1C02  }
0x40: {  	[timem:s3], [sflag:s2] =	dma.local @!p0 [hbm:s0], s1  }
0x41: {  	s0 =	simm.s32 @!p0 $0x2  }
0x42: {  	_ =	swait.ge @!p0 [sflag:s0], s1  }
0x43: {  	s1 =	ssub.s32 @!p0 $0x0, s1;
	[sflag:s0] =	ssyncset.done @!p0 $0x0  }
0x44: {  	[sflag:s0] =	ssyncadd.s32 @!p0 s1  }
0x45: {  	[bflag:$0x3] =	sbarrier.arrive $0xFFFF  }
0x46: {  	_ =	shalt  }

</sc_bundles>
